<compile_context>
chip_gen: v7x
topology: tpu7x:2x2x1
jax: 0.10.2.dev20260603
libtpu: 0.0.44.dev20260713+nightly
codegen_flags: <defaults>
</compile_context>

<pallas_src>
import functools

import jax
import jax.numpy as jnp
from jax import lax
from jax.experimental import pallas as pl
from jax.experimental.pallas import tpu as pltpu
from jax.experimental.pallas import tpu_sc as plsc

_B, _C, _H, _W = 4, 192, 14, 14
_N = _H * _W
_T = _B * _N
_D = 32
_K = 1024
_TP = 1024


def _tc1(x_ref, sp_ref, wd_ref, bd_ref,
         xn_ref, idx_ref, em_ref, me_ref, el_ref):
    xall = jnp.concatenate([x_ref[b] for b in range(_B)], axis=1)
    y = jnp.dot(wd_ref[...], xall,
                preferred_element_type=jnp.float32)
    y = y + bd_ref[...].reshape(_D, 1)
    norms = jnp.sqrt(jnp.sum(y * y, axis=0, keepdims=True))
    xn = y / norms
    xn_ref[...] = xn

    dots = jnp.dot(sp_ref[...], xn, precision=jax.lax.Precision.HIGHEST,
                   preferred_element_type=jnp.float32)
    dmax = jnp.max(dots, axis=0, keepdims=True)
    kiota = jax.lax.broadcasted_iota(jnp.int32, (_K, _T), 0)
    idx_ref[:, :_T] = jnp.min(
        jnp.where(dots == dmax, kiota, jnp.int32(1 << 30)),
        axis=0, keepdims=True)
    idx_ref[:, _T:] = jnp.zeros((1, _TP - _T), jnp.int32)

    z = (dots - dmax) * 100.0
    ex = jnp.exp(z)
    sums = jnp.sum(ex, axis=0, keepdims=True)
    inv = 1.0 / sums
    sez = jnp.sum(ex * z, axis=0, keepdims=True)
    sample_entropy = jnp.log(sums) - inv * sez
    em = jnp.sum(sample_entropy, axis=1, keepdims=True) / float(_T)
    ap = jnp.sum(ex * inv, axis=1, keepdims=True) / float(_T)
    me = -jnp.sum(ap * jnp.log(ap + 1e-15), axis=0, keepdims=True)
    em_ref[...] = em
    me_ref[...] = me
    el_ref[...] = em - me


def _make_sc_gather():
    info = plsc.get_sparse_core_info()
    nw = info.num_cores * info.num_subcores
    b_per_w = _TP // nw
    mesh = plsc.VectorSubcoreMesh(core_axis_name="c", subcore_axis_name="s")

    @functools.partial(
        pl.kernel, mesh=mesh,
        compiler_params=pltpu.CompilerParams(use_tc_tiling_on_sc=False),
        out_type=jax.ShapeDtypeStruct((_TP, _D), jnp.float32),
        scratch_types=[
            pltpu.VMEM((b_per_w,), jnp.int32),
            pltpu.VMEM((b_per_w, _D), jnp.float32),
            pltpu.SemaphoreType.DMA,
        ],
    )
    def gather(table_hbm, idx_hbm, out_hbm, idx_v, rows_v, sem):
        wid = lax.axis_index("s") * info.num_cores + lax.axis_index("c")
        base = wid * b_per_w
        pltpu.sync_copy(idx_hbm.at[pl.ds(base, b_per_w)], idx_v)
        pltpu.async_copy(table_hbm.at[idx_v], rows_v, sem).wait()
        pltpu.sync_copy(rows_v, out_hbm.at[pl.ds(base, b_per_w)])

    return gather


_sc_gather = _make_sc_gather()


def _tc2(xn_ref, rows_ref, wu_ref, bu_ref, q_ref, cl_ref):
    quant = rows_ref[: _T].T
    xn = xn_ref[...]
    st = xn + (quant - xn)
    diff = xn - st
    cl_ref[...] = jnp.sum(jnp.sum(diff * diff, axis=0, keepdims=True),
                          axis=1, keepdims=True) / float(_D * _T)
    q = jnp.dot(wu_ref[...], st,
                preferred_element_type=jnp.float32)
    q = q + bu_ref[...].reshape(_C, 1)
    for b in range(_B):
        q_ref[b] = q[:, b * _N:(b + 1) * _N]


def kernel(x, super_points, W_down, b_down, W_up, b_up):
    x3 = x.reshape(_B, _C, _N)
    xn, idx, em, me, el = pl.pallas_call(
        _tc1,
        out_shape=(
            jax.ShapeDtypeStruct((_D, _T), jnp.float32),
            jax.ShapeDtypeStruct((1, _TP), jnp.int32),
            jax.ShapeDtypeStruct((1, 1), jnp.float32),
            jax.ShapeDtypeStruct((1, 1), jnp.float32),
            jax.ShapeDtypeStruct((1, 1), jnp.float32),
        ),
    )(x3, super_points, W_down, b_down)

    idx_flat = idx[0, :_T]
    rows = _sc_gather(super_points, idx.reshape(-1))

    q3, cl = pl.pallas_call(
        _tc2,
        out_shape=(
            jax.ShapeDtypeStruct((_B, _C, _N), jnp.float32),
            jax.ShapeDtypeStruct((1, 1), jnp.float32),
        ),
    )(xn, rows, W_up, b_up)

    q = q3.reshape(_B, _C, _H, _W)
    return (q, idx_flat, em.reshape(()), me.reshape(()),
            el.reshape(()), cl.reshape(()))

# --- scband reference (transcript-rebuilt; emitter-appended) ---
"""Pipeline reference for scband-hyper-sphere-56453050139330 (READ-ONLY COPY).

The authoritative reference and input builder live on the scoring server;
editing this copy changes nothing except your own understanding.
"""

import jax, jax.numpy as jnp
import numpy as np


def setup_inputs(seed: int = 0) -> dict:
    key = jax.random.key(seed)
    k1, k2, k3, k4, k5 = jax.random.split(key, 5)
    x = jax.random.normal(k1, (4, 192, 14, 14), dtype=jnp.float32)
    sp = jax.random.normal(k2, (1024, 32), dtype=jnp.float32)
    sp = sp / jnp.linalg.norm(sp, axis=-1, keepdims=True)
    W_down = jax.random.normal(k3, (32, 192), dtype=jnp.float32) * 0.05
    b_down = jnp.zeros((32,), dtype=jnp.float32)
    W_up = jax.random.normal(k4, (192, 32), dtype=jnp.float32) * 0.05
    b_up = jnp.zeros((192,), dtype=jnp.float32)
    return {"x": x, "super_points": sp, "W_down": W_down, "b_down": b_down, "W_up": W_up, "b_up": b_up}


def reference(x, super_points, W_down, b_down, W_up, b_up):
    # hard_quantize path, training=True, pure_ball=False
    b, c, h, w = x.shape
    xt = jnp.transpose(x, (0, 2, 3, 1))  # b h w d
    xt = xt @ W_down.T + b_down          # down-project to dim=32
    n = h * w
    xf = xt.reshape(b, n, 1, -1)         # b n c d with c=1
    norms = jnp.linalg.norm(xf, axis=-1, keepdims=True)
    xn = xf / norms
    # distances to codebook
    x_exp = xn[:, :, :, None, :]                   # b n 1 1 d
    sp_exp = super_points[None, None, :, :]        # 1 1 K d
    distances = jnp.linalg.norm(x_exp - sp_exp, axis=-1)  # b n 1 K
    indices = jnp.argmin(distances, axis=-1)       # b n 1
    quantized = super_points[indices]              # b n 1 d (gather)
    # entropy terms (training branch)
    logits = jnp.einsum('bnid,jd->bnij', xn, super_points) * 100.0
    probs = jax.nn.softmax(logits, axis=-1)
    log_probs = jax.nn.log_softmax(logits + 1e-15, axis=-1)
    sample_entropy = -jnp.sum(probs * log_probs, axis=-1)
    avg_probs = jnp.mean(probs, axis=(0, 1, 2))
    entro_mean = jnp.mean(sample_entropy)
    mean_entro = -jnp.sum(avg_probs * jnp.log(avg_probs + 1e-15))
    entro_loss = entro_mean - mean_entro
    # straight-through estimator
    quantized_st = xn + jax.lax.stop_gradient(quantized - xn)
    commit_loss = jnp.mean((xn - jax.lax.stop_gradient(quantized_st)) ** 2)
    # up projection
    q = quantized_st @ W_up.T + b_up               # b n 1 input_dim
    q = q.reshape(b, n, -1)
    q = q.reshape(b, h, w, -1)
    q = jnp.transpose(q, (0, 3, 1, 2))             # b d h w
    idx_flat = indices.reshape(-1)
    return (q, idx_flat, entro_mean, mean_entro, entro_loss, commit_loss)

if __name__ == "__main__":
    import jax
    _d = setup_inputs()
    print(jax.jit(kernel)(*tuple(_d.values())))

</pallas_src>

<mosaic_0001>
#map = affine_map<(d0, d1) -> (0, 0)>
#map1 = affine_map<(d0, d1) -> (0)>
module attributes {stable_mosaic.version = 14 : i64} {
  func.func @gather(%arg0: i32, %arg1: i32, %arg2: memref<1024x32xf32, #tpu.memory_space<hbm>>, %arg3: memref<1024xi32, #tpu.memory_space<hbm>>, %arg4: memref<1024x32xf32, #tpu.memory_space<hbm>>, %arg5: memref<32xi32, #tpu.memory_space<vmem>>, %arg6: memref<32x32xf32, #tpu.memory_space<vmem>>, %arg7: memref<!tpu.dma_semaphore, #tpu.memory_space<semaphore_mem>>) attributes {dimension_semantics = [#tpu.dimension_semantics<core_parallel>, #tpu.dimension_semantics<subcore_parallel>], iteration_bounds = array<i64: 2, 16>, scalar_prefetch = 0 : i64, scratch_operands = 3 : i64, tpu.core_type = #tpu.core_type<sc_vector_subcore>, window_params = [{transform_indices = #map}, {transform_indices = #map1}, {transform_indices = #map}]} {
    %mul3A = arith.constant 2 : i32
    %mul3A_0 = arith.muli %arg1, %mul3A : i32
    %add3A = arith.addi %mul3A_0, %arg0 : i32
    %mul3A_1 = arith.constant 32 : i32
    %mul3A_2 = arith.muli %add3A, %mul3A_1 : i32
    "tpu.region"() ({
      %run_scoped3A = tpu.sem_alloc : memref<!tpu.dma_semaphore, #tpu.memory_space<semaphore_mem>>
      %dma_start3A_7 = tpu.memref_slice %arg3[%mul3A_2] : memref<1024xi32, #tpu.memory_space<hbm>> -> memref<32xi32, #tpu.memory_space<hbm>>
      %dma_start3A_8 = tpu.memref_slice %arg3[%mul3A_2] : memref<1024xi32, #tpu.memory_space<hbm>> -> memref<32xi32, #tpu.memory_space<hbm>>
      tpu.enqueue_dma source(%dma_start3A_8 : memref<32xi32, #tpu.memory_space<hbm>>) target(%arg5 : memref<32xi32, #tpu.memory_space<vmem>>) target_semaphore(%run_scoped3A : memref<!tpu.dma_semaphore, #tpu.memory_space<semaphore_mem>>)
      %dma_wait3A_9 = tpu.memref_slice %arg3[%mul3A_2] : memref<1024xi32, #tpu.memory_space<hbm>> -> memref<32xi32, #tpu.memory_space<hbm>>
      %dma_wait3A_10 = tpu.memref_slice %arg3[%mul3A_2] : memref<1024xi32, #tpu.memory_space<hbm>> -> memref<32xi32, #tpu.memory_space<hbm>>
      tpu.wait_dma2 semaphore(%run_scoped3A : memref<!tpu.dma_semaphore, #tpu.memory_space<semaphore_mem>>) src(%dma_wait3A_10 : memref<32xi32, #tpu.memory_space<hbm>>) dst(%arg5 : memref<32xi32, #tpu.memory_space<vmem>>)
      tpu.yield
    }) : () -> ()
    %dma_start3A = arith.constant 0 : i32
    %dma_start3A_3 = arith.constant 0 : i32
    %dma_start3A_4 = tpu.memref_slice %arg2[%dma_start3A, %dma_start3A_3] : memref<1024x32xf32, #tpu.memory_space<hbm>> -> memref<1024x32xf32, #tpu.memory_space<hbm>>
    tpu.enqueue_indirect_dma source(%dma_start3A_4 : memref<1024x32xf32, #tpu.memory_space<hbm>>) target(%arg6 : memref<32x32xf32, #tpu.memory_space<vmem>>) offsets(%arg5 : memref<32xi32, #tpu.memory_space<vmem>>) semaphore(%arg7 : memref<!tpu.dma_semaphore, #tpu.memory_space<semaphore_mem>>)
    %dma_wait3A = arith.constant 0 : i32
    %dma_wait3A_5 = arith.constant 0 : i32
    %dma_wait3A_6 = tpu.memref_slice %arg2[%dma_wait3A, %dma_wait3A_5] : memref<1024x32xf32, #tpu.memory_space<hbm>> -> memref<1024x32xf32, #tpu.memory_space<hbm>>
    tpu.wait_indirect_dma semaphore(%arg7 : memref<!tpu.dma_semaphore, #tpu.memory_space<semaphore_mem>>) src(%dma_wait3A_6 : memref<1024x32xf32, #tpu.memory_space<hbm>>) dst(%arg6 : memref<32x32xf32, #tpu.memory_space<vmem>>)
    "tpu.region"() ({
      %run_scoped3A = tpu.sem_alloc : memref<!tpu.dma_semaphore, #tpu.memory_space<semaphore_mem>>
      %dma_start3A_7 = arith.constant 0 : i32
      %dma_start3A_8 = tpu.memref_slice %arg4[%mul3A_2, %dma_start3A_7] : memref<1024x32xf32, #tpu.memory_space<hbm>> -> memref<32x32xf32, #tpu.memory_space<hbm>>
      %dma_start3A_9 = arith.constant 0 : i32
      %dma_start3A_10 = tpu.memref_slice %arg4[%mul3A_2, %dma_start3A_9] : memref<1024x32xf32, #tpu.memory_space<hbm>> -> memref<32x32xf32, #tpu.memory_space<hbm>>
      tpu.enqueue_dma source(%arg6 : memref<32x32xf32, #tpu.memory_space<vmem>>) target(%dma_start3A_10 : memref<32x32xf32, #tpu.memory_space<hbm>>) target_semaphore(%run_scoped3A : memref<!tpu.dma_semaphore, #tpu.memory_space<semaphore_mem>>)
      %dma_wait3A_11 = arith.constant 0 : i32
      %dma_wait3A_12 = tpu.memref_slice %arg4[%mul3A_2, %dma_wait3A_11] : memref<1024x32xf32, #tpu.memory_space<hbm>> -> memref<32x32xf32, #tpu.memory_space<hbm>>
      %dma_wait3A_13 = arith.constant 0 : i32
      %dma_wait3A_14 = tpu.memref_slice %arg4[%mul3A_2, %dma_wait3A_13] : memref<1024x32xf32, #tpu.memory_space<hbm>> -> memref<32x32xf32, #tpu.memory_space<hbm>>
      tpu.wait_dma2 semaphore(%run_scoped3A : memref<!tpu.dma_semaphore, #tpu.memory_space<semaphore_mem>>) src(%arg6 : memref<32x32xf32, #tpu.memory_space<vmem>>) dst(%dma_wait3A_14 : memref<32x32xf32, #tpu.memory_space<hbm>>)
      tpu.yield
    }) : () -> ()
    return
  }
}

module attributes {stable_mosaic.version = 14 : i64} {
  func.func @_tc1(%arg0: memref<4x192x196xf32, #tpu.memory_space<vmem>>, %arg1: memref<1024x32xf32, #tpu.memory_space<vmem>>, %arg2: memref<32x192xf32, #tpu.memory_space<vmem>>, %arg3: memref<32xf32, #tpu.memory_space<vmem>>, %arg4: memref<32x784xf32, #tpu.memory_space<vmem>>, %arg5: memref<1x1024xi32, #tpu.memory_space<vmem>>, %arg6: memref<1x1xf32, #tpu.memory_space<vmem>>, %arg7: memref<1x1xf32, #tpu.memory_space<vmem>>, %arg8: memref<1x1xf32, #tpu.memory_space<vmem>>) attributes {dimension_semantics = [], scalar_prefetch = 0 : i64, scratch_operands = 0 : i64, tpu.core_type = #tpu.core_type<tc>} {
    %get3A = arith.constant 0 : index
    %get3A_0 = arith.constant 0 : index
    %get3A_1 = arith.constant 0 : index
    %get3A_2 = vector.load %arg0[%get3A, %get3A_0, %get3A_1] : memref<4x192x196xf32, #tpu.memory_space<vmem>>, vector<1x192x196xf32>
    %get3A_3 = vector.shape_cast %get3A_2 : vector<1x192x196xf32> to vector<192x196xf32>
    %get3A_4 = arith.constant 1 : index
    %get3A_5 = arith.constant 0 : index
    %get3A_6 = arith.constant 0 : index
    %get3A_7 = vector.load %arg0[%get3A_4, %get3A_5, %get3A_6] : memref<4x192x196xf32, #tpu.memory_space<vmem>>, vector<1x192x196xf32>
    %get3A_8 = vector.shape_cast %get3A_7 : vector<1x192x196xf32> to vector<192x196xf32>
    %get3A_9 = arith.constant 2 : index
    %get3A_10 = arith.constant 0 : index
    %get3A_11 = arith.constant 0 : index
    %get3A_12 = vector.load %arg0[%get3A_9, %get3A_10, %get3A_11] : memref<4x192x196xf32, #tpu.memory_space<vmem>>, vector<1x192x196xf32>
    %get3A_13 = vector.shape_cast %get3A_12 : vector<1x192x196xf32> to vector<192x196xf32>
    %get3A_14 = arith.constant 3 : index
    %get3A_15 = arith.constant 0 : index
    %get3A_16 = arith.constant 0 : index
    %get3A_17 = vector.load %arg0[%get3A_14, %get3A_15, %get3A_16] : memref<4x192x196xf32, #tpu.memory_space<vmem>>, vector<1x192x196xf32>
    %get3A_18 = vector.shape_cast %get3A_17 : vector<1x192x196xf32> to vector<192x196xf32>
    %concatenate3A = tpu.concatenate %get3A_3, %get3A_8, %get3A_13, %get3A_18 in 1 : vector<192x196xf32>, vector<192x196xf32>, vector<192x196xf32>, vector<192x196xf32> -> vector<192x784xf32>
    %get3A_19 = arith.constant 0 : index
    %get3A_20 = arith.constant 0 : index
    %get3A_21 = vector.load %arg2[%get3A_19, %get3A_20] : memref<32x192xf32, #tpu.memory_space<vmem>>, vector<32x192xf32>
    %dot_general3A = arith.constant dense<0.000000e+00> : vector<32x784xf32>
    %dot_general3A_22 = tpu.matmul %get3A_21, %concatenate3A, %dot_general3A {dimension_numbers = #tpu.dot_dimension_numbers<[1], [0], [0], [1], [0, 0, 1, 1], [], []>, transpose_lhs_hint = false} : vector<32x192xf32>, vector<192x784xf32>, vector<32x784xf32> -> vector<32x784xf32>
    %get3A_23 = arith.constant 0 : index
    %get3A_24 = vector.load %arg3[%get3A_23] : memref<32xf32, #tpu.memory_space<vmem>>, vector<32xf32>
    %reshape3A = vector.shape_cast %get3A_24 : vector<32xf32> to vector<32x1xf32>
    %add3A = vector.broadcast %reshape3A : vector<32x1xf32> to vector<32x784xf32>
    %add3A_25 = arith.addf %dot_general3A_22, %add3A : vector<32x784xf32>
    %mul3A = arith.mulf %add3A_25, %add3A_25 : vector<32x784xf32>
    %reduce_sum3A = arith.constant dense<0.000000e+00> : vector<784xf32>
    %reduce_sum3A_26 = vector.multi_reduction <add>, %mul3A, %reduce_sum3A [0] : vector<32x784xf32> to vector<784xf32>
    %broadcast_in_dim3A = vector.shape_cast %reduce_sum3A_26 : vector<784xf32> to vector<1x784xf32>
    %sqrt3A = math.sqrt %broadcast_in_dim3A : vector<1x784xf32>
    %div3A = vector.broadcast %sqrt3A : vector<1x784xf32> to vector<32x784xf32>
    %div3A_27 = arith.divf %add3A_25, %div3A : vector<32x784xf32>
    %swap3A = arith.constant 0 : index
    %swap3A_28 = arith.constant 0 : index
    %swap3A_29 = vector.load %arg4[%swap3A, %swap3A_28] : memref<32x784xf32, #tpu.memory_space<vmem>>, vector<32x784xf32>
    tpu.vector_store %arg4[%swap3A, %swap3A_28], %div3A_27 {strides = array<i32>} : memref<32x784xf32, #tpu.memory_space<vmem>>, vector<32x784xf32>,
    %get3A_30 = arith.constant 0 : index
    %get3A_31 = arith.constant 0 : index
    %get3A_32 = vector.load %arg1[%get3A_30, %get3A_31] : memref<1024x32xf32, #tpu.memory_space<vmem>>, vector<1024x32xf32>
    %dot_general3A_33 = arith.constant dense<0.000000e+00> : vector<1024x784xf32>
    %dot_general3A_34 = tpu.matmul %get3A_32, %div3A_27, %dot_general3A_33 {dimension_numbers = #tpu.dot_dimension_numbers<[1], [0], [0], [1], [0, 0, 1, 1], [], []>, precision = #tpu.contract_precision<fp32>, transpose_lhs_hint = false} : vector<1024x32xf32>, vector<32x784xf32>, vector<1024x784xf32> -> vector<1024x784xf32>
    %reduce_max3A = arith.constant dense<0xFF800000> : vector<784xf32>
    %reduce_max3A_35 = vector.multi_reduction <maximumf>, %dot_general3A_34, %reduce_max3A [0] : vector<1024x784xf32> to vector<784xf32>
    %broadcast_in_dim3A_36 = vector.shape_cast %reduce_max3A_35 : vector<784xf32> to vector<1x784xf32>
    %iota3A = tpu.iota {dimensions = array<i32: 0>} : vector<1024x784xi32>
    %eq3A = vector.broadcast %broadcast_in_dim3A_36 : vector<1x784xf32> to vector<1024x784xf32>
    %eq3A_37 = arith.cmpf oeq, %dot_general3A_34, %eq3A : vector<1024x784xf32>
    %jit3A = arith.constant 1073741824 : i32
    %broadcast_in_dim3A_38 = vector.broadcast %jit3A : i32 to vector<1024x784xi32>
    %select_n3A = arith.select %eq3A_37, %iota3A, %broadcast_in_dim3A_38 : vector<1024x784xi1>, vector<1024x784xi32>
    %reduce_min3A = arith.constant dense<2147483647> : vector<784xi32>
    %reduce_min3A_39 = vector.multi_reduction <minsi>, %select_n3A, %reduce_min3A [0] : vector<1024x784xi32> to vector<784xi32>
    %broadcast_in_dim3A_40 = vector.shape_cast %reduce_min3A_39 : vector<784xi32> to vector<1x784xi32>
    %swap3A_41 = arith.constant 0 : index
    %swap3A_42 = arith.constant 0 : index
    %swap3A_43 = vector.load %arg5[%swap3A_41, %swap3A_42] : memref<1x1024xi32, #tpu.memory_space<vmem>>, vector<1x784xi32>
    tpu.vector_store %arg5[%swap3A_41, %swap3A_42], %broadcast_in_dim3A_40 {strides = array<i32>} : memref<1x1024xi32, #tpu.memory_space<vmem>>, vector<1x784xi32>,
    %broadcast_in_dim3A_44 = arith.constant 0 : i32
    %broadcast_in_dim3A_45 = vector.broadcast %broadcast_in_dim3A_44 : i32 to vector<1x240xi32>
    %swap3A_46 = arith.constant 0 : index
    %swap3A_47 = arith.constant 784 : index
    %swap3A_48 = vector.load %arg5[%swap3A_46, %swap3A_47] : memref<1x1024xi32, #tpu.memory_space<vmem>>, vector<1x240xi32>
    tpu.vector_store %arg5[%swap3A_46, %swap3A_47], %broadcast_in_dim3A_45 {strides = array<i32>} : memref<1x1024xi32, #tpu.memory_space<vmem>>, vector<1x240xi32>,
    %sub3A = vector.broadcast %broadcast_in_dim3A_36 : vector<1x784xf32> to vector<1024x784xf32>
    %sub3A_49 = arith.subf %dot_general3A_34, %sub3A : vector<1024x784xf32>
    %mul3A_50 = arith.constant 1.000000e+02 : f32
    %mul3A_51 = vector.broadcast %mul3A_50 : f32 to vector<1024x784xf32>
    %mul3A_52 = arith.mulf %sub3A_49, %mul3A_51 : vector<1024x784xf32>
    %exp3A = math.exp %mul3A_52 : vector<1024x784xf32>
    %reduce_sum3A_53 = arith.constant dense<0.000000e+00> : vector<784xf32>
    %reduce_sum3A_54 = vector.multi_reduction <add>, %exp3A, %reduce_sum3A_53 [0] : vector<1024x784xf32> to vector<784xf32>
    %broadcast_in_dim3A_55 = vector.shape_cast %reduce_sum3A_54 : vector<784xf32> to vector<1x784xf32>
    %div3A_56 = arith.constant 1.000000e+00 : f32
    %div3A_57 = vector.broadcast %div3A_56 : f32 to vector<1x784xf32>
    %div3A_58 = arith.divf %div3A_57, %broadcast_in_dim3A_55 : vector<1x784xf32>
    %mul3A_59 = arith.mulf %exp3A, %mul3A_52 : vector<1024x784xf32>
    %reduce_sum3A_60 = arith.constant dense<0.000000e+00> : vector<784xf32>
    %reduce_sum3A_61 = vector.multi_reduction <add>, %mul3A_59, %reduce_sum3A_60 [0] : vector<1024x784xf32> to vector<784xf32>
    %broadcast_in_dim3A_62 = vector.shape_cast %reduce_sum3A_61 : vector<784xf32> to vector<1x784xf32>
    %log3A = math.log %broadcast_in_dim3A_55 : vector<1x784xf32>
    %mul3A_63 = arith.mulf %div3A_58, %broadcast_in_dim3A_62 : vector<1x784xf32>
    %sub3A_64 = arith.subf %log3A, %mul3A_63 : vector<1x784xf32>
    %reduce_sum3A_65 = arith.constant dense<0.000000e+00> : vector<1xf32>
    %reduce_sum3A_66 = vector.multi_reduction <add>, %sub3A_64, %reduce_sum3A_65 [1] : vector<1x784xf32> to vector<1xf32>
    %broadcast_in_dim3A_67 = vector.shape_cast %reduce_sum3A_66 : vector<1xf32> to vector<1x1xf32>
    %div3A_68 = arith.constant 7.840000e+02 : f32
    %div3A_69 = vector.broadcast %div3A_68 : f32 to vector<1x1xf32>
    %div3A_70 = arith.divf %broadcast_in_dim3A_67, %div3A_69 : vector<1x1xf32>
    %mul3A_71 = vector.broadcast %div3A_58 : vector<1x784xf32> to vector<1024x784xf32>
    %mul3A_72 = arith.mulf %exp3A, %mul3A_71 : vector<1024x784xf32>
    %reduce_sum3A_73 = arith.constant dense<0.000000e+00> : vector<1024xf32>
    %reduce_sum3A_74 = vector.multi_reduction <add>, %mul3A_72, %reduce_sum3A_73 [1] : vector<1024x784xf32> to vector<1024xf32>
    %broadcast_in_dim3A_75 = vector.shape_cast %reduce_sum3A_74 : vector<1024xf32> to vector<1024x1xf32>
    %div3A_76 = arith.constant 7.840000e+02 : f32
    %div3A_77 = vector.broadcast %div3A_76 : f32 to vector<1024x1xf32>
    %div3A_78 = arith.divf %broadcast_in_dim3A_75, %div3A_77 : vector<1024x1xf32>
    %add3A_79 = arith.constant 1.000000e-15 : f32
    %add3A_80 = vector.broadcast %add3A_79 : f32 to vector<1024x1xf32>
    %add3A_81 = arith.addf %div3A_78, %add3A_80 : vector<1024x1xf32>
    %log3A_82 = math.log %add3A_81 : vector<1024x1xf32>
    %mul3A_83 = arith.mulf %div3A_78, %log3A_82 : vector<1024x1xf32>
    %reduce_sum3A_84 = arith.constant dense<0.000000e+00> : vector<1xf32>
    %reduce_sum3A_85 = vector.multi_reduction <add>, %mul3A_83, %reduce_sum3A_84 [0] : vector<1024x1xf32> to vector<1xf32>
    %broadcast_in_dim3A_86 = vector.shape_cast %reduce_sum3A_85 : vector<1xf32> to vector<1x1xf32>
    %neg3A = arith.constant 0.000000e+00 : f32
    %neg3A_87 = vector.broadcast %neg3A : f32 to vector<1x1xf32>
    %neg3A_88 = arith.subf %neg3A_87, %broadcast_in_dim3A_86 : vector<1x1xf32>
    %swap3A_89 = arith.constant 0 : index
    %swap3A_90 = arith.constant 0 : index
    %swap3A_91 = vector.load %arg6[%swap3A_89, %swap3A_90] : memref<1x1xf32, #tpu.memory_space<vmem>>, vector<1x1xf32>
    tpu.vector_store %arg6[%swap3A_89, %swap3A_90], %div3A_70 {strides = array<i32>} : memref<1x1xf32, #tpu.memory_space<vmem>>, vector<1x1xf32>,
    %swap3A_92 = arith.constant 0 : index
    %swap3A_93 = arith.constant 0 : index
    %swap3A_94 = vector.load %arg7[%swap3A_92, %swap3A_93] : memref<1x1xf32, #tpu.memory_space<vmem>>, vector<1x1xf32>
    tpu.vector_store %arg7[%swap3A_92, %swap3A_93], %neg3A_88 {strides = array<i32>} : memref<1x1xf32, #tpu.memory_space<vmem>>, vector<1x1xf32>,
    %sub3A_95 = arith.subf %div3A_70, %neg3A_88 : vector<1x1xf32>
    %swap3A_96 = arith.constant 0 : index
    %swap3A_97 = arith.constant 0 : index
    %swap3A_98 = vector.load %arg8[%swap3A_96, %swap3A_97] : memref<1x1xf32, #tpu.memory_space<vmem>>, vector<1x1xf32>
    tpu.vector_store %arg8[%swap3A_96, %swap3A_97], %sub3A_95 {strides = array<i32>} : memref<1x1xf32, #tpu.memory_space<vmem>>, vector<1x1xf32>,
    return
  }
}

module attributes {stable_mosaic.version = 14 : i64} {
  func.func @_tc2(%arg0: memref<32x784xf32, #tpu.memory_space<vmem>>, %arg1: memref<1024x32xf32, #tpu.memory_space<vmem>>, %arg2: memref<192x32xf32, #tpu.memory_space<vmem>>, %arg3: memref<192xf32, #tpu.memory_space<vmem>>, %arg4: memref<4x192x196xf32, #tpu.memory_space<vmem>>, %arg5: memref<1x1xf32, #tpu.memory_space<vmem>>) attributes {dimension_semantics = [], scalar_prefetch = 0 : i64, scratch_operands = 0 : i64, tpu.core_type = #tpu.core_type<tc>} {
    %get3A = arith.constant 0 : index
    %get3A_0 = arith.constant 0 : index
    %get3A_1 = vector.load %arg1[%get3A, %get3A_0] : memref<1024x32xf32, #tpu.memory_space<vmem>>, vector<784x32xf32>
    %transpose3A = tpu.transpose %get3A_1, [1, 0] : vector<784x32xf32> -> vector<32x784xf32>
    %get3A_2 = arith.constant 0 : index
    %get3A_3 = arith.constant 0 : index
    %get3A_4 = vector.load %arg0[%get3A_2, %get3A_3] : memref<32x784xf32, #tpu.memory_space<vmem>>, vector<32x784xf32>
    %sub3A = arith.subf %transpose3A, %get3A_4 : vector<32x784xf32>
    %add3A = arith.addf %get3A_4, %sub3A : vector<32x784xf32>
    %sub3A_5 = arith.subf %get3A_4, %add3A : vector<32x784xf32>
    %mul3A = arith.mulf %sub3A_5, %sub3A_5 : vector<32x784xf32>
    %reduce_sum3A = arith.constant dense<0.000000e+00> : vector<784xf32>
    %reduce_sum3A_6 = vector.multi_reduction <add>, %mul3A, %reduce_sum3A [0] : vector<32x784xf32> to vector<784xf32>
    %broadcast_in_dim3A = vector.shape_cast %reduce_sum3A_6 : vector<784xf32> to vector<1x784xf32>
    %reduce_sum3A_7 = arith.constant dense<0.000000e+00> : vector<1xf32>
    %reduce_sum3A_8 = vector.multi_reduction <add>, %broadcast_in_dim3A, %reduce_sum3A_7 [1] : vector<1x784xf32> to vector<1xf32>
    %broadcast_in_dim3A_9 = vector.shape_cast %reduce_sum3A_8 : vector<1xf32> to vector<1x1xf32>
    %div3A = arith.constant 2.508800e+04 : f32
    %div3A_10 = vector.broadcast %div3A : f32 to vector<1x1xf32>
    %div3A_11 = arith.divf %broadcast_in_dim3A_9, %div3A_10 : vector<1x1xf32>
    %swap3A = arith.constant 0 : index
    %swap3A_12 = arith.constant 0 : index
    %swap3A_13 = vector.load %arg5[%swap3A, %swap3A_12] : memref<1x1xf32, #tpu.memory_space<vmem>>, vector<1x1xf32>
    tpu.vector_store %arg5[%swap3A, %swap3A_12], %div3A_11 {strides = array<i32>} : memref<1x1xf32, #tpu.memory_space<vmem>>, vector<1x1xf32>,
    %get3A_14 = arith.constant 0 : index
    %get3A_15 = arith.constant 0 : index
    %get3A_16 = vector.load %arg2[%get3A_14, %get3A_15] : memref<192x32xf32, #tpu.memory_space<vmem>>, vector<192x32xf32>
    %dot_general3A = arith.constant dense<0.000000e+00> : vector<192x784xf32>
    %dot_general3A_17 = tpu.matmul %get3A_16, %add3A, %dot_general3A {dimension_numbers = #tpu.dot_dimension_numbers<[1], [0], [0], [1], [0, 0, 1, 1], [], []>, transpose_lhs_hint = false} : vector<192x32xf32>, vector<32x784xf32>, vector<192x784xf32> -> vector<192x784xf32>
    %get3A_18 = arith.constant 0 : index
    %get3A_19 = vector.load %arg3[%get3A_18] : memref<192xf32, #tpu.memory_space<vmem>>, vector<192xf32>
    %reshape3A = vector.shape_cast %get3A_19 : vector<192xf32> to vector<192x1xf32>
    %add3A_20 = vector.broadcast %reshape3A : vector<192x1xf32> to vector<192x784xf32>
    %add3A_21 = arith.addf %dot_general3A_17, %add3A_20 : vector<192x784xf32>
    %slice3A = vector.extract_strided_slice %add3A_21 {offsets = [0, 0], sizes = [192, 196], strides = [1, 1]} : vector<192x784xf32> to vector<192x196xf32>
    %swap3A_22 = arith.constant 0 : index
    %swap3A_23 = arith.constant 0 : index
    %swap3A_24 = arith.constant 0 : index
    %swap3A_25 = vector.load %arg4[%swap3A_22, %swap3A_23, %swap3A_24] : memref<4x192x196xf32, #tpu.memory_space<vmem>>, vector<1x192x196xf32>
    %swap3A_26 = vector.shape_cast %swap3A_25 : vector<1x192x196xf32> to vector<192x196xf32>
    %swap3A_27 = vector.shape_cast %slice3A : vector<192x196xf32> to vector<1x192x196xf32>
    tpu.vector_store %arg4[%swap3A_22, %swap3A_23, %swap3A_24], %swap3A_27 {strides = array<i32>} : memref<4x192x196xf32, #tpu.memory_space<vmem>>, vector<1x192x196xf32>,
    %slice3A_28 = vector.extract_strided_slice %add3A_21 {offsets = [0, 196], sizes = [192, 196], strides = [1, 1]} : vector<192x784xf32> to vector<192x196xf32>
    %swap3A_29 = arith.constant 1 : index
    %swap3A_30 = arith.constant 0 : index
    %swap3A_31 = arith.constant 0 : index
    %swap3A_32 = vector.load %arg4[%swap3A_29, %swap3A_30, %swap3A_31] : memref<4x192x196xf32, #tpu.memory_space<vmem>>, vector<1x192x196xf32>
    %swap3A_33 = vector.shape_cast %swap3A_32 : vector<1x192x196xf32> to vector<192x196xf32>
    %swap3A_34 = vector.shape_cast %slice3A_28 : vector<192x196xf32> to vector<1x192x196xf32>
    tpu.vector_store %arg4[%swap3A_29, %swap3A_30, %swap3A_31], %swap3A_34 {strides = array<i32>} : memref<4x192x196xf32, #tpu.memory_space<vmem>>, vector<1x192x196xf32>,
    %slice3A_35 = vector.extract_strided_slice %add3A_21 {offsets = [0, 392], sizes = [192, 196], strides = [1, 1]} : vector<192x784xf32> to vector<192x196xf32>
    %swap3A_36 = arith.constant 2 : index
    %swap3A_37 = arith.constant 0 : index
    %swap3A_38 = arith.constant 0 : index
    %swap3A_39 = vector.load %arg4[%swap3A_36, %swap3A_37, %swap3A_38] : memref<4x192x196xf32, #tpu.memory_space<vmem>>, vector<1x192x196xf32>
    %swap3A_40 = vector.shape_cast %swap3A_39 : vector<1x192x196xf32> to vector<192x196xf32>
    %swap3A_41 = vector.shape_cast %slice3A_35 : vector<192x196xf32> to vector<1x192x196xf32>
    tpu.vector_store %arg4[%swap3A_36, %swap3A_37, %swap3A_38], %swap3A_41 {strides = array<i32>} : memref<4x192x196xf32, #tpu.memory_space<vmem>>, vector<1x192x196xf32>,
    %slice3A_42 = vector.extract_strided_slice %add3A_21 {offsets = [0, 588], sizes = [192, 196], strides = [1, 1]} : vector<192x784xf32> to vector<192x196xf32>
    %swap3A_43 = arith.constant 3 : index
    %swap3A_44 = arith.constant 0 : index
    %swap3A_45 = arith.constant 0 : index
    %swap3A_46 = vector.load %arg4[%swap3A_43, %swap3A_44, %swap3A_45] : memref<4x192x196xf32, #tpu.memory_space<vmem>>, vector<1x192x196xf32>
    %swap3A_47 = vector.shape_cast %swap3A_46 : vector<1x192x196xf32> to vector<192x196xf32>
    %swap3A_48 = vector.shape_cast %slice3A_42 : vector<192x196xf32> to vector<1x192x196xf32>
    tpu.vector_store %arg4[%swap3A_43, %swap3A_44, %swap3A_45], %swap3A_48 {strides = array<i32>} : memref<4x192x196xf32, #tpu.memory_space<vmem>>, vector<1x192x196xf32>,
    return
  }
}

</mosaic_0001>

<sc_bundles>
// kernel: kernel.5.cloned.1.call-start
scs
__scs_entry_jumppad:
0x0: {  	(pc) =	sbr.rel $0x88, $3  }
0x1: {  	(tag) =	ssettag $0x0;
	lr =	simm.s32 $0x1  }
0x2: {  	[smem:$0x3F9B] =	sst lr;
	_ =	strace $0xD0000000  }
0x3: {  	_ = 	snop  }
0x4: {  	_ = 	snop  }
0x5: {  	_ = 	snop  }
0x6: {  	_ = 	snop  }
0x7: {  	_ = 	snop  }
__scs_overlays_trampoline_lowered:
0x8: {  	[smem:$0x3FAA] =	sst s0  }
0x9: {  	[smem:$0x3FAB] =	sst s1  }
0xa: {  	[smem:$0x3FAC] =	sst s2  }
0xb: {  	[smem:$0x3FAD] =	sst s3  }
0xc: {  	[smem:$0x3FAE] =	sst s4  }
0xd: {  	[smem:$0x3FAF] =	sst s5  }
0xe: {  	[smem:$0x3FB0] =	sst s6  }
0xf: {  	[smem:$0x3FB1] =	sst s7  }
0x10: {  	[smem:$0x3FB2] =	sst s8  }
0x11: {  	[smem:$0x3FB3] =	sst s9;
	s0 =	simm.s32 @!p0 $0x0  }
0x12: {  	s1 =	sld [smem:$0x3F99];
	s0 =	simm.s32 @p0 $0x1  }
0x13: {  	[smem:$0x3FB4] =	sst s0;
	s0 =	simm.s32 @!p1 $0x0  }
0x14: {  	s2 =	sld [smem:$0x3F98];
	s0 =	simm.s32 @p1 $0x1  }
0x15: {  	[smem:$0x3FB5] =	sst s0;
	s0 =	simm.s32 @!p2 $0x0  }
0x16: {  	s3 =	sld [smem:$0x3FDB];
	s0 =	simm.s32 @p2 $0x1  }
0x17: {  	s4 =	simm.s32 $0x1BF5;
	[smem:$0x3FB7] =	sst s0  }
0x18: {  	s0 =	sld [smem:$0x3F9A];
	_ =	swait.ge [sflag:s4], $0x0  }
0x19: {  	s7 =	sld [smem:$0x3F9B]  }
0x1a: {  	s8 =	sadd.s32 $0xFFFFE003, lr  }
0x1b: {  	s9 =	sadd.s32 $0xFFFFFEF7, lr;
	s5 =	simm.s32 $0xFFFFFFFF;
	p2 =	slt.u32 s8, $0xFFFFF086  }
0x1c: {  	p1 =	slt.u32 s9, $0xF7A;
	s5 =	simm.s32 @!p2 $0x0  }
0x1d: {  	s5 =	simm.s32 @p1 $0x1;
	p0 =	seq.s32 s7, s2  }
0x1e: {  	s7 =	smul.u32 @!p0 $0xF7A, s2;
	p2 =	seq.s32 @!p0 s5, $0x0  }
0x1f: {  	s9 =	smul.u32 $0xF7A, s1;
	s8 =	simm.s32 @!p0 $0x1BF5;
	p2 =	por !p2, p0  }
0x20: {  	[sflag:s8] =	ssyncset.s32 @!p0 $0xFFFFF086;
	s6 =	sadd.s32 @!p0 s3, s7;
	s7 =	simm.s32 @!p0 $0x108  }
0x21: {  	s3 =	sadd.s32 s3, s9;
	s6 =	sadd.s32 @!p0 $0x88, s6;
	s7 =	simm.s32 @p2 $0x1082  }
0x22: {  	[simem:s7], [sflag:s8] =	dma.local @!p0 [hbm:s6], $0xF7A  }
0x23: {  	s9 =	sor.u32 $0xD0000000, s2;
	s6 =	simm.s32 $0x108;
	_ =	swait.ge @!p0 [sflag:s8], $0x0  }
0x24: {  	s3 =	sadd.s32 $0x88, s3;
	s6 =	simm.s32 @!p1 $0x1082;
	[sflag:s4] =	ssyncset.s32 $0xFFFFF086  }
0x25: {  	[simem:s6], [sflag:s4] =	dma.local [hbm:s3], $0xF7A  }
0x26: {  	[smem:$0x3F9B] =	sst s1;
	(tag) =	ssettag s2;
	_ =	strace s9  }
0x27: {  	s1 =	sld [smem:$0x3FAB]  }
0x28: {  	s2 =	sld [smem:$0x3FAC]  }
0x29: {  	s4 =	sld [smem:$0x3FAE]  }
0x2a: {  	p0 =	seq.s32 s5, $0x0;
	s5 =	sld [smem:$0x3FAF]  }
0x2b: {  	s6 =	sld [smem:$0x3FB0]  }
0x2c: {  	s7 =	sld [smem:$0x3FB1]  }
0x2d: {  	s3 =	simm.s32 $0x108;
	s8 =	sld [smem:$0x3FB2]  }
0x2e: {  	s3 =	simm.s32 @!p0 $0x1082;
	s9 =	sld [smem:$0x3FB3]  }
0x2f: {  	lr =	sadd.s32 s0, s3;
	s0 =	sld [smem:$0x3FAA]  }
0x30: {  	s3 =	sld [smem:$0x3FAD]  }
0x31: {  	[smem:$0x3FB6] =	sst s10  }
0x32: {  	s10 =	sld [smem:$0x3FB4];
	_ =	sdelay $0x3  }
0x33: {  	p0 =	seq.s32 s10, $0x1;
	s10 =	sld [smem:$0x3FB6];
	_ =	sdelay $0x3  }
0x34: {  	[smem:$0x3FB6] =	sst s10  }
0x35: {  	s10 =	sld [smem:$0x3FB5];
	_ =	sdelay $0x3  }
0x36: {  	p1 =	seq.s32 s10, $0x1;
	s10 =	sld [smem:$0x3FB6];
	_ =	sdelay $0x3  }
0x37: {  	[smem:$0x3FB6] =	sst s10  }
0x38: {  	s10 =	sld [smem:$0x3FB7]  }
0x39: {  	_ = 	snop;
	(pc) =	sbr.ind lr, $3  }
0x3a: {  	_ = 	snop  }
0x3b: {  	_ = 	snop  }
0x3c: {  	p2 =	seq.s32 s10, $0x1;
	s10 =	sld [smem:$0x3FB6]  }
0x3d: {  	_ =	shalt  }
0x3e: {  	_ =	shalt  }
0x3f: {  	_ =	shalt  }
0x40: {  	_ =	shalt  }
0x41: {  	_ =	shalt  }
0x42: {  	_ =	shalt  }
0x43: {  	_ =	shalt  }
0x44: {  	_ =	shalt  }
0x45: {  	_ =	shalt  }
0x46: {  	_ =	shalt  }
0x47: {  	_ =	shalt  }
0x48: {  	_ =	shalt  }
0x49: {  	_ =	shalt  }
0x4a: {  	_ =	shalt  }
0x4b: {  	_ =	shalt  }
0x4c: {  	_ =	shalt  }
0x4d: {  	_ =	shalt  }
0x4e: {  	_ =	shalt  }
0x4f: {  	_ =	shalt  }
0x50: {  	_ =	shalt  }
0x51: {  	_ =	shalt  }
0x52: {  	_ =	shalt  }
0x53: {  	_ =	shalt  }
0x54: {  	_ =	shalt  }
0x55: {  	_ =	shalt  }
0x56: {  	_ =	shalt  }
0x57: {  	_ =	shalt  }
0x58: {  	_ =	shalt  }
0x59: {  	_ =	shalt  }
0x5a: {  	_ =	shalt  }
0x5b: {  	_ =	shalt  }
0x5c: {  	_ =	shalt  }
0x5d: {  	_ =	shalt  }
0x5e: {  	_ =	shalt  }
0x5f: {  	_ =	shalt  }
0x60: {  	_ =	shalt  }
0x61: {  	_ =	shalt  }
0x62: {  	_ =	shalt  }
0x63: {  	_ =	shalt  }
0x64: {  	_ =	shalt  }
0x65: {  	_ =	shalt  }
0x66: {  	_ =	shalt  }
0x67: {  	_ =	shalt  }
0x68: {  	_ =	shalt  }
0x69: {  	_ =	shalt  }
0x6a: {  	_ =	shalt  }
0x6b: {  	_ =	shalt  }
0x6c: {  	_ =	shalt  }
0x6d: {  	_ =	shalt  }
0x6e: {  	_ =	shalt  }
0x6f: {  	_ =	shalt  }
0x70: {  	_ =	shalt  }
0x71: {  	_ =	shalt  }
0x72: {  	_ =	shalt  }
0x73: {  	_ =	shalt  }
0x74: {  	_ =	shalt  }
0x75: {  	_ =	shalt  }
0x76: {  	_ =	shalt  }
0x77: {  	_ =	shalt  }
0x78: {  	_ =	shalt  }
0x79: {  	_ =	shalt  }
0x7a: {  	_ =	shalt  }
0x7b: {  	_ =	shalt  }
0x7c: {  	_ =	shalt  }
0x7d: {  	_ =	shalt  }
0x7e: {  	_ =	shalt  }
0x7f: {  	_ =	shalt  }
0x80: {  	_ =	shalt  }
0x81: {  	_ =	shalt  }
0x82: {  	_ =	shalt  }
0x83: {  	_ =	shalt  }
0x84: {  	_ =	shalt  }
0x85: {  	_ =	shalt  }
0x86: {  	_ =	shalt  }
0x87: {  	_ =	shalt  }
.Lfunc_end0:
.L_simem_size_0:
called_computation_lowered:
.L_overlay_start_0:
0x88: {  	s2 =	sld [smem:$0x3FD9]  }
0x89: {  	s3 =	sld [smem:$0x3FFE];
	_ =	sdelay $0x1  }
0x8a: {  	s1 =	srdreg.scid  }
0x8b: {  	s0 =	sand.u32 $0x1, s1  }
0x8c: {  	s14 =	sshll.u32 s0, $0xA;
	s2 =	sadd.s32 s3, s2  }
0x8d: {  	s2 =	sadd.s32 s2, s14  }
0x8e: {  	[smem:$0x3FC2] =	sst s2  }
0x8f: {  	_ = 	snop  }
0x90: {  	s2 =	sld [smem:$0x3FD0];
	_ =	sdelay $0x2  }
0x91: {  	s15 =	simm.s32 $0xA;
	s4 =	simm.s32 $0x10  }
0x92: {  	[smem:s4], [sflag:s15] =	dma.local [hbm:s2], $0x1  }
0x93: {  	_ =	swait.eq [sflag:s15], $0x1  }
0x94: {  	[sflag:s15] =	ssyncset.done $0x0  }
0x95: {  	[sflag:s15] =	ssyncadd.s32 $0xFFFFFFFF  }
0x96: {  	s16 =	sld [smem:$0x10];
	(tm) =	ssettm $0x1  }
0x97: {  	s17 =	sld [smem:$0x3FFB];
	_ =	sdelay $0x3  }
0x98: {  	_ =	strace s17  }
0x99: {  	s3 =	sld [smem:$0x3FFC];
	_ =	sdelay $0x3  }
0x9a: {  	_ =	strace s3  }
0x9b: {  	s3 =	sld [smem:$0x3FFD];
	_ =	sdelay $0x3  }
0x9c: {  	_ =	strace s3  }
0x9d: {  	_ =	strace $0x8FFFFFFF  }
0x9e: {  	s18 =	sld [smem:$0x3FDB];
	_ =	sdelay $0x1  }
0x9f: {  	s19 =	simm.s32 $_scs_section_size  }
0xa0: {  	s5 =	simm.s32 $_size__tile_overlayer_lowered;
	s6 =	simm.s32 $_tile_overlayer_lowered  }
0xa1: {  	s22 =	simm.s32 $0x1BFF;
	s21 =	sshll.u32 s6, $0x1;
	s3 =	sadd.s32 s19, s18  }
0xa2: {  	s7 =	simm.s32 $0x0;
	s20 =	sshll.u32 s5, $0x1;
	s5 =	sadd.s32 s21, s3  }
0xa3: {  	[timem:s7], [sflag:s22] =	dma.local [hbm:s5], s20  }
0xa4: {  	_ =	swait.ge [sflag:s22], s20  }
0xa5: {  	s4 =	ssub.s32 $0x0, s20;
	[sflag:s22] =	ssyncset.done $0x0  }
0xa6: {  	[sflag:s22] =	ssyncadd.s32 s4;
	_ =	sdelay $0x1  }
0xa7: {  	s23 =	simm.s32 $0x1B8B  }
0xa8: {  	_ =	swait.ge [sflag:s23], $0x1  }
0xa9: {  	[sflag:s23] =	ssyncset.done $0x0  }
0xaa: {  	s25 =	simm.s32 $0x1B8E;
	s24 =	sld [smem:$0x3FFE];
	[sflag:s23] =	ssyncadd.s32 $0xFFFFFFFF  }
0xab: {  	s26 =	simm.s32 $execute0_lowered;
	[smem:$0x3FD2] =	sst s25  }
0xac: {  	s5 =	sshll.u32 s26, $0x1;
	_ =	strace $0x80000046;
	[dreg:$0x1] =	wrdreg $0xFFFFFFFF  }
0xad: {  	s28 =	simm.s32 $_size_execute0_lowered;
	s3 =	sadd.s32 s3, s5;
	[dreg:$0x0] =	wrdreg $0x0  }
0xae: {  	s5 =	sshll.u32 s28, $0x1;
	[dreg:$0x2] =	wrdreg s3  }
0xaf: {  	[dreg:$0x3] =	wrdreg s5  }
0xb0: {  	[dreg:$0x4] =	wrdreg $0xC0  }
0xb1: {  	_ =	task [dreg:s7], $0x5FFFF  }
0xb2: {  	[dreg:$0x1] =	wrdreg $0xFFFFFFFF  }
0xb3: {  	[dreg:$0x0] =	wrdreg $0x60  }
0xb4: {  	[dreg:$0x2] =	wrdreg s16  }
0xb5: {  	[dreg:$0x3] =	wrdreg s24  }
0xb6: {  	[dreg:$0x4] =	wrdreg $0x9  }
0xb7: {  	_ =	task.clear_ibuf [dreg:s7], $0x5FFFF;
	_ =	strace $0x90000046  }
0xb8: {  	s29 =	simm.s32 $0x9;
	_ =	strace $0x80000048  }
0xb9: {  	_ =	swait.ge [sflag:s29], $0x1  }
0xba: {  	[sflag:s29] =	ssyncadd.s32 $0xFFFFFFFF  }
0xbb: {  	_ =	strace $0x90000048  }
0xbc: {  	_ =	sfence  }
0xbd: {  	s30 =	sld [smem:$0x0];
	_ =	sdelay $0x2  }
0xbe: {  	s31 =	sshll.u32 s1, $0xD;
	s1 =	sshrl.u32 s1, $0x2  }
0xbf: {  	s3 =	sand.u32 $0x4000, s31;
	s1 =	sadd.s32 s1, s30  }
0xc0: {  	s0 =	sor.u32 s3, s0;
	s1 =	sshll.u32 s1, $0x11  }
0xc1: {  	s0 =	sor.u32 s1, s0  }
0xc2: {  	s0 =	sadd.s32 $0x8F2B, s0  }
0xc3: {  	[sflag:s0] =	ssyncadd.remote.s32 $0x1  }
0xc4: {  	_ =	sfence.sel $0xFFFF  }
0xc5: {  	[dreg:$0x0] =	wrdreg $0xFFFFFFFF;
	(pc) =	sbr.abs _section_cstart, $3  }
0xc6: {  	[dreg:$0x1] =	wrdreg $0xFFFFFFFF  }
0xc7: {  	_ =	task.clear_ibuf [dreg:s7], $0x2FFFF;
	_ =	strace $0x9FFFFFFF  }
0xc8: {  	(tm) =	ssettm $0x7FFFFFFF  }
0xc9: {  	_ =	shalt  }
tec
execute0_lowered:
.L_overlay_start_1:
0x0: {  	(tag) =	ssettag $0x1  }
0x1: {  	s1 =	srdreg.scid  }
0x2: {  	s0 =	stileid.u32;
	s6 =	sand.u32 $0x1, s1  }
0x3: {  	s2 =	rddreg [dreg:$0x0];
	s30 =	sshll.u32 s0, $0x6;
	s3 =	sshll.u32 s6, $0x5  }
0x4: {  	s8 =	rddreg [dreg:$0x1];
	s7 =	simm.s32 $0x1;
	s9 =	sor.u32 s3, s30  }
0x5: {  	s1 =	rddreg [dreg:$0x2];
	s3 =	simm.s32 $0x0;
	s4 =	sshrl.u32 s9, $0x3  }
0x6: {  	s10 =	ssub.s32 $0x2, s6;
	[smem:$0x7FF] =	sst s3;
	s4 =	sadd.s32 s4, s8  }
0x7: {  	_ =	strace $0x80000047;
	s5 =	sadd.s32 $0x1000, s4;
	s4 =	simm.s32 $0x2  }
0x8: {  	[tilespmem:s3], [sflag:$0x2] =	stream.linear.gather [hbm4b:s5+s3], $0x20, $0x38;
	[tilespmem:$0x420] =	vst v63  }
0x9: {  	s6 =	simm.s32 $0x20;
	s11 =	sshrl.u32 s10, $0x1;
	_ =	swait.ge [sflag:s4], $0x20  }
0xa: {  	s9 =	sshll.u32 s9, $0x2;
	s31 =	ssub.s32 s10, s11;
	[sflag:s4] =	ssyncset.done $0x0  }
0xb: {  	s8 =	sadd.s32 s9, s8;
	s9 =	smax.u32 s31, $0x1;
	[sflag:s4] =	ssyncadd.s32 $0xFFFFFFE0  }
0xc: {  	[tilespmem:s6], [sflag:$0x1] =	stream.indirect.gather [hbm4b:s2+s6], $0x20, s3, s6, $0xb8;
	[tilespmem:$0x420] =	vst v63  }
0xd: {  	p0 =	sne.s32 s9, $0x1;
	_ =	swait.ge [sflag:s7], $0x400  }
.Ltmp0:
0xe: {  	[sflag:s7] =	ssyncset.done $0x0;
	(pc) =	sbr.rel @!p0 .LBB2_2-.Ltmp0, $4  }
0xf: {  	s8 =	sadd.s32 $0x1200, s8;
	[sflag:s7] =	ssyncadd.s32 $0xFFFFFC00  }
0x10: {  	[hbm4b:s8+s3] =	stream.linear.scatter [tilespmem:s6], [sflag:$0x2], $0x400, $0x38;
	[tilespmem:$0x420] =	vst v63  }
0x11: {  	_ =	swait.ge [sflag:s4], $0x400  }
0x12: {  	s9 =	sadd.s32 $0xFFFFFFFF, s9;
	[sflag:s4] =	ssyncset.done $0x0  }
.LBB2_1:
0x13: {  	p0 =	sne.s32 s9, $0x1;
	s9 =	sadd.s32 $0xFFFFFFFF, s9;
	[sflag:s4] =	ssyncadd.s32 $0xFFFFFC00  }
0x14: {  	[tilespmem:s3], [sflag:$0x2] =	stream.linear.gather [hbm4b:s5+s3], $0x20, $0x38;
	[tilespmem:$0x420] =	vst v63  }
0x15: {  	_ =	swait.ge [sflag:s4], $0x20  }
0x16: {  	[sflag:s4] =	ssyncset.done $0x0  }
0x17: {  	[sflag:s4] =	ssyncadd.s32 $0xFFFFFFE0  }
0x18: {  	[tilespmem:s6], [sflag:$0x1] =	stream.indirect.gather [hbm4b:s2+s6], $0x20, s3, s6, $0xb8;
	[tilespmem:$0x420] =	vst v63  }
0x19: {  	_ =	swait.ge [sflag:s7], $0x400  }
.Ltmp1:
0x1a: {  	[sflag:s7] =	ssyncset.done $0x0;
	(pc) =	sbr.rel @p0 .LBB2_1-.Ltmp1, $4  }
0x1b: {  	[sflag:s7] =	ssyncadd.s32 $0xFFFFFC00  }
0x1c: {  	[hbm4b:s8+s3] =	stream.linear.scatter [tilespmem:s6], [sflag:$0x2], $0x400, $0x38;
	[tilespmem:$0x420] =	vst v63  }
0x1d: {  	_ =	swait.ge [sflag:s4], $0x400  }
0x1e: {  	[sflag:s4] =	ssyncset.done $0x0  }
.LBB2_2:
0x1f: {  	[sflag:s4] =	ssyncadd.s32 $0xFFFFFC00  }
0x20: {  	_ =	sfence.sel $0x180000  }
0x21: {  	[bflag:$0x0] =	sbarrier.arrive $0xFFFF  }
0x22: {  	p0 =	sne.s32 s0, $0x0;
	_ =	strace $0x90000047  }
0x23: {  	s0 =	sadd.s32 @!p0 $0x100000, s1;
	[bflag:$0x2] =	sbarrier.arrive $0xFFFF  }
0x24: {  	[sflag:s0] =	ssyncadd.tile.s32 @!p0 $0x1;
	_ =	shalt  }
.Lfunc_end2:
_tile_overlayer_lowered:
.L_overlay_start_2:
0x25: {  	(tag) =	ssettag $0x2  }
0x26: {  	s0 =	rddreg [dreg:$0x0];
	s2 =	stileid.u32  }
0x27: {  	s1 =	rddreg [dreg:$0x1];
	p0 =	sne.s32 s2, $0x0  }
0x28: {  	s3 =	rddreg [dreg:$0x2];
	[bflag:$0x3] =	sbarrier.arrive $0xFFFF;
	s2 =	simm.s32 @!p0 $0x1C02  }
0x29: {  	[timem:s3], [sflag:s2] =	dma.local @!p0 [hbm:s0], s1  }
0x2a: {  	s0 =	simm.s32 @!p0 $0x2  }
0x2b: {  	_ =	swait.ge @!p0 [sflag:s0], s1  }
0x2c: {  	s1 =	ssub.s32 @!p0 $0x0, s1;
	[sflag:s0] =	ssyncset.done @!p0 $0x0  }
0x2d: {  	[sflag:s0] =	ssyncadd.s32 @!p0 s1  }
0x2e: {  	[bflag:$0x3] =	sbarrier.arrive $0xFFFF  }
0x2f: {  	_ =	shalt  }

</sc_bundles>
